<compile_context>
chip_gen: v7x
topology: tpu7x:2x2x1
jax: 0.10.2.dev20260603
libtpu: 0.0.44.dev20260713+nightly
codegen_flags: <defaults>
</compile_context>

<pallas_src>
import functools
import math

import jax
import jax.numpy as jnp
from jax import lax
from jax.experimental import pallas as pl
from jax.experimental.pallas import tpu as pltpu
from jax.experimental.pallas import tpu_sc as plsc

EMBED_DIM = 64
SEQ_LEN = 200
MAX_WAVELENGTH = 10000.0

NUM_CORES = 2
NUM_SUBCORES = 16
NUM_WORKERS = NUM_CORES * NUM_SUBCORES
LANES = 16

CHUNK = 128


def _pos_table_body(o_ref):
    r = lax.broadcasted_iota(jnp.int32, (2 * SEQ_LEN, EMBED_DIM), 0)
    pos = jnp.where(r >= SEQ_LEN, r - SEQ_LEN, r).astype(jnp.float32)
    d = lax.broadcasted_iota(jnp.int32, (2 * SEQ_LEN, EMBED_DIM), 1)
    half = (2 * (d // 2)).astype(jnp.float32) / float(EMBED_DIM)
    timescales = jnp.exp(half * (-math.log(MAX_WAVELENGTH)))
    angles = pos * timescales
    even = (d % 2) == 0
    o_ref[...] = jnp.where(even, jnp.sin(angles), jnp.cos(angles))


def _pos_table():
    return pl.pallas_call(
        _pos_table_body,
        out_shape=jax.ShapeDtypeStruct((2 * SEQ_LEN, EMBED_DIM), jnp.float32),
    )()


def _sc_gather_add(xflat, table, pos2):
    total = xflat.shape[0]
    per_worker = total // NUM_WORKERS
    n_chunks = per_worker // CHUNK
    mesh = plsc.VectorSubcoreMesh(core_axis_name="c", subcore_axis_name="s")

    @functools.partial(
        pl.kernel,
        mesh=mesh,
        compiler_params=pltpu.CompilerParams(use_tc_tiling_on_sc=False),
        out_type=jax.ShapeDtypeStruct((total, EMBED_DIM), jnp.float32),
        scratch_types=[
            pltpu.VMEM((per_worker,), jnp.int32),
            pltpu.VMEM((2 * SEQ_LEN, EMBED_DIM), jnp.float32),
            pltpu.VMEM((CHUNK, EMBED_DIM), jnp.float32),
            pltpu.SemaphoreType.DMA,
        ],
    )
    def k(table_hbm, xflat_hbm, pos2_hbm, out_hbm, idx_v, pos_v, buf, sem):
        wid = lax.axis_index("s") * NUM_CORES + lax.axis_index("c")
        base = wid * per_worker
        pltpu.sync_copy(xflat_hbm.at[pl.ds(base, per_worker)], idx_v)
        pltpu.sync_copy(pos2_hbm, pos_v)

        def chunk_body(c, carry):
            p0 = lax.rem(c * CHUNK, SEQ_LEN)
            pltpu.async_copy(
                table_hbm.at[idx_v.at[pl.ds(c * CHUNK, CHUNK)]], buf, sem
            ).wait()

            def row_body(rr, carry2):
                pr = p0 + rr
                for j in range(EMBED_DIM // LANES):
                    s = pl.ds(j * LANES, LANES)
                    buf[rr, s] = buf[rr, s] + pos_v[pr, s]
                return carry2

            lax.fori_loop(0, CHUNK, row_body, 0)
            pltpu.sync_copy(buf, out_hbm.at[pl.ds(base + c * CHUNK, CHUNK)])
            return carry

        lax.fori_loop(0, n_chunks, chunk_body, 0)

    return k(table, xflat, pos2)


def kernel(x, token_emb_table):
    batch, seq_len = x.shape
    xflat = x.reshape(-1).astype(jnp.int32)
    pos2 = _pos_table()
    out = _sc_gather_add(xflat, token_emb_table, pos2)
    return out.reshape(batch, seq_len, EMBED_DIM)

# --- scband reference (transcript-rebuilt; emitter-appended) ---
"""Pipeline reference for scband-token-and-position-embedding-19189913878613 (READ-ONLY COPY).

The authoritative reference and input builder live on the scoring server;
editing this copy changes nothing except your own understanding.
"""

import jax, jax.numpy as jnp
import numpy as np

VOCAB_SIZE = 1000000
EMBED_DIM = 64
BATCH = 4096
SEQ_LEN = 200
MAX_WAVELENGTH = 10000.0


def sine_position_encoding(seq_length, hidden_size, dtype=jnp.float32):
    # Faithful port of keras_nlp SinePositionEncoding
    position = jnp.arange(seq_length, dtype=dtype)
    min_freq = 1.0 / MAX_WAVELENGTH
    timescales = jnp.power(
        min_freq,
        (2.0 * (jnp.arange(hidden_size, dtype=dtype) // 2)) / float(hidden_size),
    )
    angles = position[:, None] * timescales[None, :]
    cos_mask = jnp.asarray(jnp.arange(hidden_size) % 2, dtype=dtype)
    sin_mask = 1.0 - cos_mask
    return jnp.sin(angles) * sin_mask + jnp.cos(angles) * cos_mask


def setup_inputs(seed: int = 0) -> dict:
    key = jax.random.key(seed)
    k_idx, k_tab = jax.random.split(key)
    x = jax.random.randint(k_idx, (BATCH, SEQ_LEN), 0, VOCAB_SIZE, dtype=jnp.int64 if jax.config.jax_enable_x64 else jnp.int32)
    # he_uniform over fan_in = vocab_size is tiny; use a reasonable embedding init
    limit = np.sqrt(6.0 / VOCAB_SIZE)
    token_emb_table = jax.random.uniform(
        k_tab, (VOCAB_SIZE, EMBED_DIM), minval=-limit, maxval=limit, dtype=jnp.float32
    )
    return {"x": x, "token_emb_table": token_emb_table}


def reference(x, token_emb_table):
    # token embedding lookup (gather)
    embedding = jnp.take(token_emb_table, x, axis=0)  # [B, L, D]
    positions = sine_position_encoding(embedding.shape[-2], embedding.shape[-1], embedding.dtype)
    return embedding + positions[None, :, :]

if __name__ == "__main__":
    import jax
    _d = setup_inputs()
    print(jax.jit(kernel)(*tuple(_d.values())))

</pallas_src>

<mosaic_0001>
#map = affine_map<(d0, d1) -> (0, 0)>
#map1 = affine_map<(d0, d1) -> (0)>
module attributes {stable_mosaic.version = 14 : i64} {
  func.func @k(%arg0: i32, %arg1: i32, %arg2: memref<1000000x64xf32, #tpu.memory_space<hbm>>, %arg3: memref<819200xi32, #tpu.memory_space<hbm>>, %arg4: memref<400x64xf32, #tpu.memory_space<hbm>>, %arg5: memref<819200x64xf32, #tpu.memory_space<hbm>>, %arg6: memref<25600xi32, #tpu.memory_space<vmem>>, %arg7: memref<400x64xf32, #tpu.memory_space<vmem>>, %arg8: memref<128x64xf32, #tpu.memory_space<vmem>>, %arg9: memref<!tpu.dma_semaphore, #tpu.memory_space<semaphore_mem>>) attributes {dimension_semantics = [#tpu.dimension_semantics<core_parallel>, #tpu.dimension_semantics<subcore_parallel>], iteration_bounds = array<i64: 2, 16>, scalar_prefetch = 0 : i64, scratch_operands = 4 : i64, tpu.core_type = #tpu.core_type<sc_vector_subcore>, window_params = [{transform_indices = #map}, {transform_indices = #map1}, {transform_indices = #map}, {transform_indices = #map}]} {
    %mul3A = arith.constant 2 : i32
    %mul3A_0 = arith.muli %arg1, %mul3A : i32
    %add3A = arith.addi %mul3A_0, %arg0 : i32
    %mul3A_1 = arith.constant 25600 : i32
    %mul3A_2 = arith.muli %add3A, %mul3A_1 : i32
    "tpu.region"() ({
      %run_scoped3A = tpu.sem_alloc : memref<!tpu.dma_semaphore, #tpu.memory_space<semaphore_mem>>
      %dma_start3A = tpu.memref_slice %arg3[%mul3A_2] : memref<819200xi32, #tpu.memory_space<hbm>> -> memref<25600xi32, #tpu.memory_space<hbm>>
      %dma_start3A_8 = tpu.memref_slice %arg3[%mul3A_2] : memref<819200xi32, #tpu.memory_space<hbm>> -> memref<25600xi32, #tpu.memory_space<hbm>>
      tpu.enqueue_dma source(%dma_start3A_8 : memref<25600xi32, #tpu.memory_space<hbm>>) target(%arg6 : memref<25600xi32, #tpu.memory_space<vmem>>) target_semaphore(%run_scoped3A : memref<!tpu.dma_semaphore, #tpu.memory_space<semaphore_mem>>)
      %dma_wait3A = tpu.memref_slice %arg3[%mul3A_2] : memref<819200xi32, #tpu.memory_space<hbm>> -> memref<25600xi32, #tpu.memory_space<hbm>>
      %dma_wait3A_9 = tpu.memref_slice %arg3[%mul3A_2] : memref<819200xi32, #tpu.memory_space<hbm>> -> memref<25600xi32, #tpu.memory_space<hbm>>
      tpu.wait_dma2 semaphore(%run_scoped3A : memref<!tpu.dma_semaphore, #tpu.memory_space<semaphore_mem>>) src(%dma_wait3A_9 : memref<25600xi32, #tpu.memory_space<hbm>>) dst(%arg6 : memref<25600xi32, #tpu.memory_space<vmem>>)
      tpu.yield
    }) : () -> ()
    "tpu.region"() ({
      %run_scoped3A = tpu.sem_alloc : memref<!tpu.dma_semaphore, #tpu.memory_space<semaphore_mem>>
      tpu.enqueue_dma source(%arg4 : memref<400x64xf32, #tpu.memory_space<hbm>>) target(%arg7 : memref<400x64xf32, #tpu.memory_space<vmem>>) target_semaphore(%run_scoped3A : memref<!tpu.dma_semaphore, #tpu.memory_space<semaphore_mem>>)
      tpu.wait_dma2 semaphore(%run_scoped3A : memref<!tpu.dma_semaphore, #tpu.memory_space<semaphore_mem>>) src(%arg4 : memref<400x64xf32, #tpu.memory_space<hbm>>) dst(%arg7 : memref<400x64xf32, #tpu.memory_space<vmem>>)
      tpu.yield
    }) : () -> ()
    %scan3A = arith.constant 0 : i32
    %scan3A_3 = arith.constant 0 : i32
    %scan3A_4 = arith.constant 200 : i32
    %scan3A_5 = arith.addi %scan3A_3, %scan3A_4 : i32
    %scan3A_6 = arith.constant 1 : i32
    scf.for %scan3A_8 = %scan3A_3 to %scan3A_5 step %scan3A_6  : i32 {
      %mul3A_9 = arith.constant 128 : i32
      %mul3A_10 = arith.muli %scan3A_8, %mul3A_9 : i32
      %rem3A = arith.constant 200 : i32
      %rem3A_11 = arith.remsi %mul3A_10, %rem3A : i32
      %mul3A_12 = arith.constant 128 : i32
      %mul3A_13 = arith.muli %scan3A_8, %mul3A_12 : i32
      %dma_start3A = tpu.memref_slice %arg6[%mul3A_13] : memref<25600xi32, #tpu.memory_space<vmem>> -> memref<128xi32, #tpu.memory_space<vmem>>
      %dma_start3A_14 = arith.constant 0 : i32
      %dma_start3A_15 = arith.constant 0 : i32
      %dma_start3A_16 = tpu.memref_slice %arg2[%dma_start3A_14, %dma_start3A_15] : memref<1000000x64xf32, #tpu.memory_space<hbm>> -> memref<1000000x64xf32, #tpu.memory_space<hbm>>
      tpu.enqueue_indirect_dma source(%dma_start3A_16 : memref<1000000x64xf32, #tpu.memory_space<hbm>>) target(%arg8 : memref<128x64xf32, #tpu.memory_space<vmem>>) offsets(%dma_start3A : memref<128xi32, #tpu.memory_space<vmem>>) semaphore(%arg9 : memref<!tpu.dma_semaphore, #tpu.memory_space<semaphore_mem>>)
      %dma_wait3A = tpu.memref_slice %arg6[%mul3A_13] : memref<25600xi32, #tpu.memory_space<vmem>> -> memref<128xi32, #tpu.memory_space<vmem>>
      %dma_wait3A_17 = arith.constant 0 : i32
      %dma_wait3A_18 = arith.constant 0 : i32
      %dma_wait3A_19 = tpu.memref_slice %arg2[%dma_wait3A_17, %dma_wait3A_18] : memref<1000000x64xf32, #tpu.memory_space<hbm>> -> memref<1000000x64xf32, #tpu.memory_space<hbm>>
      tpu.wait_indirect_dma semaphore(%arg9 : memref<!tpu.dma_semaphore, #tpu.memory_space<semaphore_mem>>) src(%dma_wait3A_19 : memref<1000000x64xf32, #tpu.memory_space<hbm>>) dst(%arg8 : memref<128x64xf32, #tpu.memory_space<vmem>>)
      %scan3A_20 = arith.constant 0 : i32
      %scan3A_21 = arith.constant 0 : i32
      %scan3A_22 = arith.constant 128 : i32
      %scan3A_23 = arith.addi %scan3A_21, %scan3A_22 : i32
      %scan3A_24 = arith.constant 1 : i32
      scf.for %scan3A_29 = %scan3A_21 to %scan3A_23 step %scan3A_24  : i32 {
        %add3A_30 = arith.addi %rem3A_11, %scan3A_29 : i32
        %get3A = arith.index_cast %scan3A_29 : i32 to index
        %get3A_31 = arith.constant 0 : index
        %get3A_32 = tpu.vector_load %arg8[%get3A, %get3A_31] {strides = array<i32>} : memref<128x64xf32, #tpu.memory_space<vmem>>, vector<1x16xf32>,
        %get3A_33 = vector.shape_cast %get3A_32 : vector<1x16xf32> to vector<16xf32>
        %get3A_34 = arith.index_cast %add3A_30 : i32 to index
        %get3A_35 = arith.constant 0 : index
        %get3A_36 = tpu.vector_load %arg7[%get3A_34, %get3A_35] {strides = array<i32>} : memref<400x64xf32, #tpu.memory_space<vmem>>, vector<1x16xf32>,
        %get3A_37 = vector.shape_cast %get3A_36 : vector<1x16xf32> to vector<16xf32>
        %add3A_38 = arith.addf %get3A_33, %get3A_37 : vector<16xf32>
        %swap3A = arith.index_cast %scan3A_29 : i32 to index
        %swap3A_39 = arith.constant 0 : index
        %swap3A_40 = tpu.vector_load %arg8[%swap3A, %swap3A_39] {strides = array<i32>} : memref<128x64xf32, #tpu.memory_space<vmem>>, vector<1x16xf32>,
        %swap3A_41 = vector.shape_cast %swap3A_40 : vector<1x16xf32> to vector<16xf32>
        %swap3A_42 = vector.shape_cast %add3A_38 : vector<16xf32> to vector<1x16xf32>
        tpu.vector_store %arg8[%swap3A, %swap3A_39], %swap3A_42 {strides = array<i32>} : memref<128x64xf32, #tpu.memory_space<vmem>>, vector<1x16xf32>,
        %get3A_43 = arith.index_cast %scan3A_29 : i32 to index
        %get3A_44 = arith.constant 16 : index
        %get3A_45 = tpu.vector_load %arg8[%get3A_43, %get3A_44] {strides = array<i32>} : memref<128x64xf32, #tpu.memory_space<vmem>>, vector<1x16xf32>,
        %get3A_46 = vector.shape_cast %get3A_45 : vector<1x16xf32> to vector<16xf32>
        %get3A_47 = arith.index_cast %add3A_30 : i32 to index
        %get3A_48 = arith.constant 16 : index
        %get3A_49 = tpu.vector_load %arg7[%get3A_47, %get3A_48] {strides = array<i32>} : memref<400x64xf32, #tpu.memory_space<vmem>>, vector<1x16xf32>,
        %get3A_50 = vector.shape_cast %get3A_49 : vector<1x16xf32> to vector<16xf32>
        %add3A_51 = arith.addf %get3A_46, %get3A_50 : vector<16xf32>
        %swap3A_52 = arith.index_cast %scan3A_29 : i32 to index
        %swap3A_53 = arith.constant 16 : index
        %swap3A_54 = tpu.vector_load %arg8[%swap3A_52, %swap3A_53] {strides = array<i32>} : memref<128x64xf32, #tpu.memory_space<vmem>>, vector<1x16xf32>,
        %swap3A_55 = vector.shape_cast %swap3A_54 : vector<1x16xf32> to vector<16xf32>
        %swap3A_56 = vector.shape_cast %add3A_51 : vector<16xf32> to vector<1x16xf32>
        tpu.vector_store %arg8[%swap3A_52, %swap3A_53], %swap3A_56 {strides = array<i32>} : memref<128x64xf32, #tpu.memory_space<vmem>>, vector<1x16xf32>,
        %get3A_57 = arith.index_cast %scan3A_29 : i32 to index
        %get3A_58 = arith.constant 32 : index
        %get3A_59 = tpu.vector_load %arg8[%get3A_57, %get3A_58] {strides = array<i32>} : memref<128x64xf32, #tpu.memory_space<vmem>>, vector<1x16xf32>,
        %get3A_60 = vector.shape_cast %get3A_59 : vector<1x16xf32> to vector<16xf32>
        %get3A_61 = arith.index_cast %add3A_30 : i32 to index
        %get3A_62 = arith.constant 32 : index
        %get3A_63 = tpu.vector_load %arg7[%get3A_61, %get3A_62] {strides = array<i32>} : memref<400x64xf32, #tpu.memory_space<vmem>>, vector<1x16xf32>,
        %get3A_64 = vector.shape_cast %get3A_63 : vector<1x16xf32> to vector<16xf32>
        %add3A_65 = arith.addf %get3A_60, %get3A_64 : vector<16xf32>
        %swap3A_66 = arith.index_cast %scan3A_29 : i32 to index
        %swap3A_67 = arith.constant 32 : index
        %swap3A_68 = tpu.vector_load %arg8[%swap3A_66, %swap3A_67] {strides = array<i32>} : memref<128x64xf32, #tpu.memory_space<vmem>>, vector<1x16xf32>,
        %swap3A_69 = vector.shape_cast %swap3A_68 : vector<1x16xf32> to vector<16xf32>
        %swap3A_70 = vector.shape_cast %add3A_65 : vector<16xf32> to vector<1x16xf32>
        tpu.vector_store %arg8[%swap3A_66, %swap3A_67], %swap3A_70 {strides = array<i32>} : memref<128x64xf32, #tpu.memory_space<vmem>>, vector<1x16xf32>,
        %get3A_71 = arith.index_cast %scan3A_29 : i32 to index
        %get3A_72 = arith.constant 48 : index
        %get3A_73 = tpu.vector_load %arg8[%get3A_71, %get3A_72] {strides = array<i32>} : memref<128x64xf32, #tpu.memory_space<vmem>>, vector<1x16xf32>,
        %get3A_74 = vector.shape_cast %get3A_73 : vector<1x16xf32> to vector<16xf32>
        %get3A_75 = arith.index_cast %add3A_30 : i32 to index
        %get3A_76 = arith.constant 48 : index
        %get3A_77 = tpu.vector_load %arg7[%get3A_75, %get3A_76] {strides = array<i32>} : memref<400x64xf32, #tpu.memory_space<vmem>>, vector<1x16xf32>,
        %get3A_78 = vector.shape_cast %get3A_77 : vector<1x16xf32> to vector<16xf32>
        %add3A_79 = arith.addf %get3A_74, %get3A_78 : vector<16xf32>
        %swap3A_80 = arith.index_cast %scan3A_29 : i32 to index
        %swap3A_81 = arith.constant 48 : index
        %swap3A_82 = tpu.vector_load %arg8[%swap3A_80, %swap3A_81] {strides = array<i32>} : memref<128x64xf32, #tpu.memory_space<vmem>>, vector<1x16xf32>,
        %swap3A_83 = vector.shape_cast %swap3A_82 : vector<1x16xf32> to vector<16xf32>
        %swap3A_84 = vector.shape_cast %add3A_79 : vector<16xf32> to vector<1x16xf32>
        tpu.vector_store %arg8[%swap3A_80, %swap3A_81], %swap3A_84 {strides = array<i32>} : memref<128x64xf32, #tpu.memory_space<vmem>>, vector<1x16xf32>,
      }
      %scan3A_25 = arith.constant 128 : i32
      %mul3A_26 = arith.constant 128 : i32
      %mul3A_27 = arith.muli %scan3A_8, %mul3A_26 : i32
      %add3A_28 = arith.addi %mul3A_2, %mul3A_27 : i32
      "tpu.region"() ({
        %run_scoped3A = tpu.sem_alloc : memref<!tpu.dma_semaphore, #tpu.memory_space<semaphore_mem>>
        %dma_start3A_29 = arith.constant 0 : i32
        %dma_start3A_30 = tpu.memref_slice %arg5[%add3A_28, %dma_start3A_29] : memref<819200x64xf32, #tpu.memory_space<hbm>> -> memref<128x64xf32, #tpu.memory_space<hbm>>
        %dma_start3A_31 = arith.constant 0 : i32
        %dma_start3A_32 = tpu.memref_slice %arg5[%add3A_28, %dma_start3A_31] : memref<819200x64xf32, #tpu.memory_space<hbm>> -> memref<128x64xf32, #tpu.memory_space<hbm>>
        tpu.enqueue_dma source(%arg8 : memref<128x64xf32, #tpu.memory_space<vmem>>) target(%dma_start3A_32 : memref<128x64xf32, #tpu.memory_space<hbm>>) target_semaphore(%run_scoped3A : memref<!tpu.dma_semaphore, #tpu.memory_space<semaphore_mem>>)
        %dma_wait3A_33 = arith.constant 0 : i32
        %dma_wait3A_34 = tpu.memref_slice %arg5[%add3A_28, %dma_wait3A_33] : memref<819200x64xf32, #tpu.memory_space<hbm>> -> memref<128x64xf32, #tpu.memory_space<hbm>>
        %dma_wait3A_35 = arith.constant 0 : i32
        %dma_wait3A_36 = tpu.memref_slice %arg5[%add3A_28, %dma_wait3A_35] : memref<819200x64xf32, #tpu.memory_space<hbm>> -> memref<128x64xf32, #tpu.memory_space<hbm>>
        tpu.wait_dma2 semaphore(%run_scoped3A : memref<!tpu.dma_semaphore, #tpu.memory_space<semaphore_mem>>) src(%arg8 : memref<128x64xf32, #tpu.memory_space<vmem>>) dst(%dma_wait3A_36 : memref<128x64xf32, #tpu.memory_space<hbm>>)
        tpu.yield
      }) : () -> ()
    }
    %scan3A_7 = arith.constant 200 : i32
    return
  }
}

module attributes {stable_mosaic.version = 14 : i64} {
  func.func @_pos_table_body(%arg0: memref<400x64xf32, #tpu.memory_space<vmem>>) attributes {dimension_semantics = [], scalar_prefetch = 0 : i64, scratch_operands = 0 : i64, tpu.core_type = #tpu.core_type<tc>} {
    %iota3A = tpu.iota {dimensions = array<i32: 0>} : vector<400x64xi32>
    %ge3A = arith.constant 200 : i32
    %ge3A_0 = vector.broadcast %ge3A : i32 to vector<400x64xi32>
    %ge3A_1 = arith.cmpi sge, %iota3A, %ge3A_0 : vector<400x64xi32>
    %sub3A = arith.constant 200 : i32
    %sub3A_2 = vector.broadcast %sub3A : i32 to vector<400x64xi32>
    %sub3A_3 = arith.subi %iota3A, %sub3A_2 : vector<400x64xi32>
    %select_n3A = arith.select %ge3A_1, %sub3A_3, %iota3A : vector<400x64xi1>, vector<400x64xi32>
    %convert_element_type3A = arith.sitofp %select_n3A : vector<400x64xi32> to vector<400x64xf32>
    %iota3A_4 = tpu.iota {dimensions = array<i32: 1>} : vector<400x64xi32>
    %jit3A = arith.constant 2 : i32
    %div3A = vector.broadcast %jit3A : i32 to vector<400x64xi32>
    %div3A_5 = arith.divsi %iota3A_4, %div3A : vector<400x64xi32>
    %sign3A = arith.constant 0 : i32
    %sign3A_6 = vector.broadcast %sign3A : i32 to vector<400x64xi32>
    %sign3A_7 = arith.cmpi sgt, %iota3A_4, %sign3A_6 : vector<400x64xi32>
    %sign3A_8 = arith.extui %sign3A_7 : vector<400x64xi1> to vector<400x64xi32>
    %sign3A_9 = arith.constant 0 : i32
    %sign3A_10 = vector.broadcast %sign3A_9 : i32 to vector<400x64xi32>
    %sign3A_11 = arith.cmpi slt, %iota3A_4, %sign3A_10 : vector<400x64xi32>
    %sign3A_12 = arith.extui %sign3A_11 : vector<400x64xi1> to vector<400x64xi32>
    %sign3A_13 = arith.subi %sign3A_8, %sign3A_12 : vector<400x64xi32>
    %sign3A_14 = arith.constant 0 : i32
    %sign3A_15 = arith.cmpi sgt, %jit3A, %sign3A_14 : i32
    %sign3A_16 = arith.extui %sign3A_15 : i1 to i32
    %sign3A_17 = arith.constant 0 : i32
    %sign3A_18 = arith.cmpi slt, %jit3A, %sign3A_17 : i32
    %sign3A_19 = arith.extui %sign3A_18 : i1 to i32
    %sign3A_20 = arith.subi %sign3A_16, %sign3A_19 : i32
    %ne3A = vector.broadcast %sign3A_20 : i32 to vector<400x64xi32>
    %ne3A_21 = arith.cmpi ne, %sign3A_13, %ne3A : vector<400x64xi32>
    %rem3A = vector.broadcast %jit3A : i32 to vector<400x64xi32>
    %rem3A_22 = arith.remsi %iota3A_4, %rem3A : vector<400x64xi32>
    %ne3A_23 = arith.constant 0 : i32
    %ne3A_24 = vector.broadcast %ne3A_23 : i32 to vector<400x64xi32>
    %ne3A_25 = arith.cmpi ne, %rem3A_22, %ne3A_24 : vector<400x64xi32>
    %and3A = arith.andi %ne3A_21, %ne3A_25 : vector<400x64xi1>
    %sub3A_26 = arith.constant 1 : i32
    %sub3A_27 = vector.broadcast %sub3A_26 : i32 to vector<400x64xi32>
    %sub3A_28 = arith.subi %div3A_5, %sub3A_27 : vector<400x64xi32>
    %select_n3A_29 = arith.select %and3A, %sub3A_28, %div3A_5 : vector<400x64xi1>, vector<400x64xi32>
    %mul3A = arith.constant 2 : i32
    %mul3A_30 = vector.broadcast %mul3A : i32 to vector<400x64xi32>
    %mul3A_31 = arith.muli %mul3A_30, %select_n3A_29 : vector<400x64xi32>
    %convert_element_type3A_32 = arith.sitofp %mul3A_31 : vector<400x64xi32> to vector<400x64xf32>
    %div3A_33 = arith.constant 6.400000e+01 : f32
    %div3A_34 = vector.broadcast %div3A_33 : f32 to vector<400x64xf32>
    %div3A_35 = arith.divf %convert_element_type3A_32, %div3A_34 : vector<400x64xf32>
    %mul3A_36 = arith.constant -9.21034049 : f32
    %mul3A_37 = vector.broadcast %mul3A_36 : f32 to vector<400x64xf32>
    %mul3A_38 = arith.mulf %div3A_35, %mul3A_37 : vector<400x64xf32>
    %exp3A = math.exp %mul3A_38 : vector<400x64xf32>
    %mul3A_39 = arith.mulf %convert_element_type3A, %exp3A : vector<400x64xf32>
    %jit3A_40 = arith.constant 2 : i32
    %eq3A = arith.constant 0 : i32
    %eq3A_41 = arith.cmpi eq, %jit3A_40, %eq3A : i32
    %jit3A_42 = arith.constant 1 : i32
    %select_n3A_43 = arith.select %eq3A_41, %jit3A_42, %jit3A_40 : i32
    %rem3A_44 = vector.broadcast %select_n3A_43 : i32 to vector<400x64xi32>
    %rem3A_45 = arith.remsi %iota3A_4, %rem3A_44 : vector<400x64xi32>
    %ne3A_46 = arith.constant 0 : i32
    %ne3A_47 = vector.broadcast %ne3A_46 : i32 to vector<400x64xi32>
    %ne3A_48 = arith.cmpi ne, %rem3A_45, %ne3A_47 : vector<400x64xi32>
    %lt3A = arith.constant 0 : i32
    %lt3A_49 = vector.broadcast %lt3A : i32 to vector<400x64xi32>
    %lt3A_50 = arith.cmpi slt, %rem3A_45, %lt3A_49 : vector<400x64xi32>
    %lt3A_51 = arith.constant 0 : i32
    %lt3A_52 = arith.cmpi slt, %select_n3A_43, %lt3A_51 : i32
    %ne3A_53 = vector.broadcast %lt3A_52 : i1 to vector<400x64xi1>
    %ne3A_54 = vector.broadcast %ne3A_53 : vector<400x64xi1> to vector<400x64xi1>
    %ne3A_55 = arith.xori %lt3A_50, %ne3A_54 : vector<400x64xi1>
    %and3A_56 = arith.andi %ne3A_55, %ne3A_48 : vector<400x64xi1>
    %add3A = vector.broadcast %select_n3A_43 : i32 to vector<400x64xi32>
    %add3A_57 = arith.addi %rem3A_45, %add3A : vector<400x64xi32>
    %select_n3A_58 = arith.select %and3A_56, %add3A_57, %rem3A_45 : vector<400x64xi1>, vector<400x64xi32>
    %eq3A_59 = arith.constant 0 : i32
    %eq3A_60 = vector.broadcast %eq3A_59 : i32 to vector<400x64xi32>
    %eq3A_61 = arith.cmpi eq, %select_n3A_58, %eq3A_60 : vector<400x64xi32>
    %sin3A = math.sin %mul3A_39 : vector<400x64xf32>
    %cos3A = math.cos %mul3A_39 : vector<400x64xf32>
    %select_n3A_62 = arith.select %eq3A_61, %sin3A, %cos3A : vector<400x64xi1>, vector<400x64xf32>
    %swap3A = arith.constant 0 : index
    %swap3A_63 = arith.constant 0 : index
    %swap3A_64 = vector.load %arg0[%swap3A, %swap3A_63] : memref<400x64xf32, #tpu.memory_space<vmem>>, vector<400x64xf32>
    tpu.vector_store %arg0[%swap3A, %swap3A_63], %select_n3A_62 {strides = array<i32>} : memref<400x64xf32, #tpu.memory_space<vmem>>, vector<400x64xf32>,
    return
  }
}

</mosaic_0001>

<sc_bundles>
// kernel: kernel.4.cloned.1.call-start
scs
__scs_entry_jumppad:
0x0: {  	(pc) =	sbr.rel $0x88, $3  }
0x1: {  	(tag) =	ssettag $0x0;
	lr =	simm.s32 $0x1  }
0x2: {  	[smem:$0x3F9F] =	sst lr;
	_ =	strace $0xD0000000  }
0x3: {  	_ = 	snop  }
0x4: {  	_ = 	snop  }
0x5: {  	_ = 	snop  }
0x6: {  	_ = 	snop  }
0x7: {  	_ = 	snop  }
__scs_overlays_trampoline_lowered:
0x8: {  	[smem:$0x3FAE] =	sst s0  }
0x9: {  	[smem:$0x3FAF] =	sst s1  }
0xa: {  	[smem:$0x3FB0] =	sst s2  }
0xb: {  	[smem:$0x3FB1] =	sst s3  }
0xc: {  	[smem:$0x3FB2] =	sst s4  }
0xd: {  	[smem:$0x3FB3] =	sst s5  }
0xe: {  	[smem:$0x3FB4] =	sst s6  }
0xf: {  	[smem:$0x3FB5] =	sst s7  }
0x10: {  	[smem:$0x3FB6] =	sst s8  }
0x11: {  	[smem:$0x3FB7] =	sst s9;
	s0 =	simm.s32 @!p0 $0x0  }
0x12: {  	s1 =	sld [smem:$0x3F9D];
	s0 =	simm.s32 @p0 $0x1  }
0x13: {  	[smem:$0x3FB8] =	sst s0;
	s0 =	simm.s32 @!p1 $0x0  }
0x14: {  	s2 =	sld [smem:$0x3F9C];
	s0 =	simm.s32 @p1 $0x1  }
0x15: {  	[smem:$0x3FB9] =	sst s0;
	s0 =	simm.s32 @!p2 $0x0  }
0x16: {  	s3 =	sld [smem:$0x3FDB];
	s0 =	simm.s32 @p2 $0x1  }
0x17: {  	s4 =	simm.s32 $0x1BF5;
	[smem:$0x3FBB] =	sst s0  }
0x18: {  	s0 =	sld [smem:$0x3F9E];
	_ =	swait.ge [sflag:s4], $0x0  }
0x19: {  	s7 =	sld [smem:$0x3F9F]  }
0x1a: {  	s8 =	sadd.s32 $0xFFFFE003, lr  }
0x1b: {  	s9 =	sadd.s32 $0xFFFFFEF7, lr;
	s5 =	simm.s32 $0xFFFFFFFF;
	p2 =	slt.u32 s8, $0xFFFFF086  }
0x1c: {  	p1 =	slt.u32 s9, $0xF7A;
	s5 =	simm.s32 @!p2 $0x0  }
0x1d: {  	s5 =	simm.s32 @p1 $0x1;
	p0 =	seq.s32 s7, s2  }
0x1e: {  	s7 =	smul.u32 @!p0 $0xF7A, s2;
	p2 =	seq.s32 @!p0 s5, $0x0  }
0x1f: {  	s9 =	smul.u32 $0xF7A, s1;
	s8 =	simm.s32 @!p0 $0x1BF5;
	p2 =	por !p2, p0  }
0x20: {  	[sflag:s8] =	ssyncset.s32 @!p0 $0xFFFFF086;
	s6 =	sadd.s32 @!p0 s3, s7;
	s7 =	simm.s32 @!p0 $0x108  }
0x21: {  	s3 =	sadd.s32 s3, s9;
	s6 =	sadd.s32 @!p0 $0x88, s6;
	s7 =	simm.s32 @p2 $0x1082  }
0x22: {  	[simem:s7], [sflag:s8] =	dma.local @!p0 [hbm:s6], $0xF7A  }
0x23: {  	s9 =	sor.u32 $0xD0000000, s2;
	s6 =	simm.s32 $0x108;
	_ =	swait.ge @!p0 [sflag:s8], $0x0  }
0x24: {  	s3 =	sadd.s32 $0x88, s3;
	s6 =	simm.s32 @!p1 $0x1082;
	[sflag:s4] =	ssyncset.s32 $0xFFFFF086  }
0x25: {  	[simem:s6], [sflag:s4] =	dma.local [hbm:s3], $0xF7A  }
0x26: {  	[smem:$0x3F9F] =	sst s1;
	(tag) =	ssettag s2;
	_ =	strace s9  }
0x27: {  	s1 =	sld [smem:$0x3FAF]  }
0x28: {  	s2 =	sld [smem:$0x3FB0]  }
0x29: {  	s4 =	sld [smem:$0x3FB2]  }
0x2a: {  	p0 =	seq.s32 s5, $0x0;
	s5 =	sld [smem:$0x3FB3]  }
0x2b: {  	s6 =	sld [smem:$0x3FB4]  }
0x2c: {  	s7 =	sld [smem:$0x3FB5]  }
0x2d: {  	s3 =	simm.s32 $0x108;
	s8 =	sld [smem:$0x3FB6]  }
0x2e: {  	s3 =	simm.s32 @!p0 $0x1082;
	s9 =	sld [smem:$0x3FB7]  }
0x2f: {  	lr =	sadd.s32 s0, s3;
	s0 =	sld [smem:$0x3FAE]  }
0x30: {  	s3 =	sld [smem:$0x3FB1]  }
0x31: {  	[smem:$0x3FBA] =	sst s10  }
0x32: {  	s10 =	sld [smem:$0x3FB8];
	_ =	sdelay $0x3  }
0x33: {  	p0 =	seq.s32 s10, $0x1;
	s10 =	sld [smem:$0x3FBA];
	_ =	sdelay $0x3  }
0x34: {  	[smem:$0x3FBA] =	sst s10  }
0x35: {  	s10 =	sld [smem:$0x3FB9];
	_ =	sdelay $0x3  }
0x36: {  	p1 =	seq.s32 s10, $0x1;
	s10 =	sld [smem:$0x3FBA];
	_ =	sdelay $0x3  }
0x37: {  	[smem:$0x3FBA] =	sst s10  }
0x38: {  	s10 =	sld [smem:$0x3FBB]  }
0x39: {  	_ = 	snop;
	(pc) =	sbr.ind lr, $3  }
0x3a: {  	_ = 	snop  }
0x3b: {  	_ = 	snop  }
0x3c: {  	p2 =	seq.s32 s10, $0x1;
	s10 =	sld [smem:$0x3FBA]  }
0x3d: {  	_ =	shalt  }
0x3e: {  	_ =	shalt  }
0x3f: {  	_ =	shalt  }
0x40: {  	_ =	shalt  }
0x41: {  	_ =	shalt  }
0x42: {  	_ =	shalt  }
0x43: {  	_ =	shalt  }
0x44: {  	_ =	shalt  }
0x45: {  	_ =	shalt  }
0x46: {  	_ =	shalt  }
0x47: {  	_ =	shalt  }
0x48: {  	_ =	shalt  }
0x49: {  	_ =	shalt  }
0x4a: {  	_ =	shalt  }
0x4b: {  	_ =	shalt  }
0x4c: {  	_ =	shalt  }
0x4d: {  	_ =	shalt  }
0x4e: {  	_ =	shalt  }
0x4f: {  	_ =	shalt  }
0x50: {  	_ =	shalt  }
0x51: {  	_ =	shalt  }
0x52: {  	_ =	shalt  }
0x53: {  	_ =	shalt  }
0x54: {  	_ =	shalt  }
0x55: {  	_ =	shalt  }
0x56: {  	_ =	shalt  }
0x57: {  	_ =	shalt  }
0x58: {  	_ =	shalt  }
0x59: {  	_ =	shalt  }
0x5a: {  	_ =	shalt  }
0x5b: {  	_ =	shalt  }
0x5c: {  	_ =	shalt  }
0x5d: {  	_ =	shalt  }
0x5e: {  	_ =	shalt  }
0x5f: {  	_ =	shalt  }
0x60: {  	_ =	shalt  }
0x61: {  	_ =	shalt  }
0x62: {  	_ =	shalt  }
0x63: {  	_ =	shalt  }
0x64: {  	_ =	shalt  }
0x65: {  	_ =	shalt  }
0x66: {  	_ =	shalt  }
0x67: {  	_ =	shalt  }
0x68: {  	_ =	shalt  }
0x69: {  	_ =	shalt  }
0x6a: {  	_ =	shalt  }
0x6b: {  	_ =	shalt  }
0x6c: {  	_ =	shalt  }
0x6d: {  	_ =	shalt  }
0x6e: {  	_ =	shalt  }
0x6f: {  	_ =	shalt  }
0x70: {  	_ =	shalt  }
0x71: {  	_ =	shalt  }
0x72: {  	_ =	shalt  }
0x73: {  	_ =	shalt  }
0x74: {  	_ =	shalt  }
0x75: {  	_ =	shalt  }
0x76: {  	_ =	shalt  }
0x77: {  	_ =	shalt  }
0x78: {  	_ =	shalt  }
0x79: {  	_ =	shalt  }
0x7a: {  	_ =	shalt  }
0x7b: {  	_ =	shalt  }
0x7c: {  	_ =	shalt  }
0x7d: {  	_ =	shalt  }
0x7e: {  	_ =	shalt  }
0x7f: {  	_ =	shalt  }
0x80: {  	_ =	shalt  }
0x81: {  	_ =	shalt  }
0x82: {  	_ =	shalt  }
0x83: {  	_ =	shalt  }
0x84: {  	_ =	shalt  }
0x85: {  	_ =	shalt  }
0x86: {  	_ =	shalt  }
0x87: {  	_ =	shalt  }
.Lfunc_end0:
.L_simem_size_0:
called_computation.1_lowered:
.L_overlay_start_0:
0x88: {  	s2 =	sld [smem:$0x3FD9]  }
0x89: {  	s3 =	sld [smem:$0x3FFE];
	_ =	sdelay $0x1  }
0x8a: {  	s1 =	srdreg.scid  }
0x8b: {  	s0 =	sand.u32 $0x1, s1  }
0x8c: {  	s17 =	sshll.u32 s0, $0xA;
	s2 =	sadd.s32 s3, s2  }
0x8d: {  	s2 =	sadd.s32 s2, s17  }
0x8e: {  	[smem:$0x3FC6] =	sst s2  }
0x8f: {  	_ = 	snop  }
0x90: {  	s2 =	sld [smem:$0x3FD0];
	(tm) =	ssettm $0x1  }
0x91: {  	s18 =	sld [smem:$0x3FFB];
	_ =	sdelay $0x3  }
0x92: {  	_ =	strace s18  }
0x93: {  	s3 =	sld [smem:$0x3FFC];
	_ =	sdelay $0x3  }
0x94: {  	_ =	strace s3  }
0x95: {  	s3 =	sld [smem:$0x3FFD];
	_ =	sdelay $0x3  }
0x96: {  	_ =	strace s3  }
0x97: {  	_ =	strace $0x8FFFFFFF  }
0x98: {  	s19 =	sld [smem:$0x3FDB];
	_ =	sdelay $0x1  }
0x99: {  	s4 =	simm.s32 $_scs_section_size  }
0x9a: {  	s5 =	simm.s32 $_size__tile_overlayer_lowered;
	s6 =	simm.s32 $_tile_overlayer_lowered  }
0x9b: {  	s22 =	simm.s32 $0x1BFF;
	s21 =	sshll.u32 s6, $0x1;
	s3 =	sadd.s32 s4, s19  }
0x9c: {  	s7 =	simm.s32 $0x0;
	s20 =	sshll.u32 s5, $0x1;
	s5 =	sadd.s32 s21, s3  }
0x9d: {  	[timem:s7], [sflag:s22] =	dma.local [hbm:s5], s20  }
0x9e: {  	_ =	swait.ge [sflag:s22], s20  }
0x9f: {  	s4 =	ssub.s32 $0x0, s20;
	[sflag:s22] =	ssyncset.done $0x0  }
0xa0: {  	[sflag:s22] =	ssyncadd.s32 s4;
	_ =	sdelay $0x1  }
0xa1: {  	s23 =	simm.s32 $0x1B8B  }
0xa2: {  	_ =	swait.ge [sflag:s23], $0x1  }
0xa3: {  	[sflag:s23] =	ssyncset.done $0x0  }
0xa4: {  	s25 =	simm.s32 $0x1B8E;
	s24 =	sld [smem:$0x3FFE];
	[sflag:s23] =	ssyncadd.s32 $0xFFFFFFFF  }
0xa5: {  	s26 =	simm.s32 $execute0_lowered;
	[smem:$0x3FD2] =	sst s25  }
0xa6: {  	s5 =	sshll.u32 s26, $0x1;
	_ =	strace $0x80000046;
	[dreg:$0x1] =	wrdreg $0xFFFFFFFF  }
0xa7: {  	s28 =	simm.s32 $_size_execute0_lowered;
	s3 =	sadd.s32 s3, s5;
	[dreg:$0x0] =	wrdreg $0x0  }
0xa8: {  	s5 =	sshll.u32 s28, $0x1;
	[dreg:$0x2] =	wrdreg s3  }
0xa9: {  	[dreg:$0x3] =	wrdreg s5  }
0xaa: {  	[dreg:$0x4] =	wrdreg $0xC0  }
0xab: {  	_ =	task [dreg:s7], $0x5FFFF  }
0xac: {  	[dreg:$0x1] =	wrdreg $0xFFFFFFFF  }
0xad: {  	[dreg:$0x0] =	wrdreg $0x60  }
0xae: {  	[dreg:$0x2] =	wrdreg s24  }
0xaf: {  	[dreg:$0x3] =	wrdreg s2  }
0xb0: {  	[dreg:$0x4] =	wrdreg $0x9  }
0xb1: {  	_ =	task.clear_ibuf [dreg:s7], $0x5FFFF;
	_ =	strace $0x90000046  }
0xb2: {  	s29 =	simm.s32 $0x9;
	_ =	strace $0x80000048  }
0xb3: {  	_ =	swait.ge [sflag:s29], $0x1  }
0xb4: {  	[sflag:s29] =	ssyncadd.s32 $0xFFFFFFFF  }
0xb5: {  	_ =	strace $0x90000048  }
0xb6: {  	_ =	sfence  }
0xb7: {  	s30 =	sld [smem:$0x0];
	_ =	sdelay $0x2  }
0xb8: {  	s31 =	sshll.u32 s1, $0xD;
	s1 =	sshrl.u32 s1, $0x2  }
0xb9: {  	s3 =	sand.u32 $0x4000, s31;
	s1 =	sadd.s32 s1, s30  }
0xba: {  	s0 =	sor.u32 s3, s0;
	s1 =	sshll.u32 s1, $0x11  }
0xbb: {  	s0 =	sor.u32 s1, s0  }
0xbc: {  	s0 =	sadd.s32 $0x8F2B, s0  }
0xbd: {  	[sflag:s0] =	ssyncadd.remote.s32 $0x1  }
0xbe: {  	_ =	sfence.sel $0xFFFF  }
0xbf: {  	[dreg:$0x0] =	wrdreg $0xFFFFFFFF;
	(pc) =	sbr.abs _section_cstart, $3  }
0xc0: {  	[dreg:$0x1] =	wrdreg $0xFFFFFFFF  }
0xc1: {  	_ =	task.clear_ibuf [dreg:s7], $0x2FFFF;
	_ =	strace $0x9FFFFFFF  }
0xc2: {  	(tm) =	ssettm $0x7FFFFFFF  }
0xc3: {  	_ =	shalt  }
tec
execute0_lowered:
.L_overlay_start_1:
0x0: {  	(tag) =	ssettag $0x1  }
0x1: {  	s1 =	srdreg.scid;
	s6 =	rddreg [dreg:$0x0]  }
0x2: {  	s0 =	stileid.u32;
	s2 =	rddreg [dreg:$0x1];
	s3 =	simm.s32 $0x0  }
0x3: {  	s10 =	simm.s32 $0x80;
	s5 =	sand.u32 $0x1, s1;
	s31 =	sshll.u32 s0, $0x1  }
0x4: {  	s11 =	simm.s32 $0xC800;
	s12 =	simm.s32 $0x1;
	s4 =	sor.u32 s5, s31  }
0x5: {  	s13 =	simm.s32 $0x0;
	[smem:$0x7FF] =	sst s3;
	s4 =	smul.u32 $0x6400, s4  }
0x6: {  	s1 =	rddreg [dreg:$0x2];
	_ =	strace $0x80000047;
	s8 =	ssub.s32 $0x2, s5  }
0x7: {  	s5 =	sadd.s32 $0xF43000, s6;
	s9 =	sshrl.u32 s8, $0x1;
	s7 =	sshrl.u32 s4, $0x3  }
0x8: {  	s8 =	ssub.s32 s8, s9;
	s9 =	simm.s32 $0x2;
	s7 =	sadd.s32 s7, s6  }
0x9: {  	s8 =	smax.u32 s8, $0x1;
	s6 =	sadd.s32 $0x19C00, s6;
	s7 =	sadd.s32 $0xC00, s7  }
.LBB2_1:
0xa: {  	[tilespmem:s3], [sflag:$0x2] =	stream.linear.gather [hbm4b:s7+s3], $0x6400, $0x38;
	[tilespmem:$0xE800] =	vst v63  }
0xb: {  	_ =	swait.ge [sflag:s9], $0x6400  }
0xc: {  	[sflag:s9] =	ssyncset.done $0x0  }
0xd: {  	s14 =	simm.s32 $0x6400;
	[sflag:s9] =	ssyncadd.s32 $0xFFFF9C00  }
0xe: {  	[tilespmem:s14], [sflag:$0x2] =	stream.linear.gather [hbm4b:s6+s3], $0x6400, $0x38;
	[tilespmem:$0xE800] =	vst v63  }
0xf: {  	_ =	swait.ge [sflag:s9], $0x6400  }
0x10: {  	[sflag:s9] =	ssyncset.done $0x0  }
0x11: {  	s15 =	simm.s32 $0x0;
	s16 =	simm.s32 $0x0;
	[sflag:s9] =	ssyncadd.s32 $0xFFFF9C00  }
.LBB2_2:
0x12: {  	s17 =	smulhi.u32 $0x51EB851F, s15;
	_ =	sdelay $0x1  }
0x13: {  	s17 =	sshrl.u32 s17, $0x6  }
0x14: {  	s18 =	smul.u32 $0xFFFF3800, s17;
	_ =	sdelay $0x1  }
0x15: {  	s18 =	sshra.s32 s18, $0x2  }
0x16: {  	s18 =	sadd.s32 s18, s14  }
0x17: {  	s17 =	sshll.u32 s16, $0x7;
	v0 =	vmov s18  }
0x18: {  	[tilespmem:s11], [sflag:$0x1] =	stream.indirect.gather [hbm4b:s5+s10], $0x40, s17, s10, $0xb8;
	[tilespmem:$0xE800] =	vst v63  }
0x19: {  	_ =	swait.ge [sflag:s12], $0x2000  }
0x1a: {  	[sflag:s12] =	ssyncset.done $0x0  }
0x1b: {  	s19 =	simm.s32 $0x100;
	[sflag:s12] =	ssyncadd.s32 $0xFFFFE000;
	s18 =	simm.s32 $0x0  }
.LBB2_3:
0x1c: {  	p0 =	sne.s32 s19, $0x7F00;
	v1 =	vld.idx.msk [tilespmem:v0+s18+$0x0 ss:$0x1], $0xffff  }
0x1d: {  	v2 =	vld [tilespmem:s18+$0xC800];
	_ =	sdelay $0x4  }
0x1e: {  	v1 =	vadd.f32 v1, v2;
	_ =	sdelay $0x1  }
0x1f: {  	[tilespmem:s18+$0xC800] =	vst v1  }
0x20: {  	v1 =	vld.idx.msk [tilespmem:v0+s18+$0x10 ss:$0x1], $0xffff  }
0x21: {  	v2 =	vld [tilespmem:s18+$0xC810];
	_ =	sdelay $0x4  }
0x22: {  	v1 =	vadd.f32 v1, v2;
	_ =	sdelay $0x1  }
0x23: {  	[tilespmem:s18+$0xC810] =	vst v1  }
0x24: {  	v1 =	vld.idx.msk [tilespmem:v0+s18+$0x20 ss:$0x1], $0xffff  }
0x25: {  	v2 =	vld [tilespmem:s18+$0xC820];
	_ =	sdelay $0x4  }
0x26: {  	v1 =	vadd.f32 v1, v2;
	_ =	sdelay $0x1  }
0x27: {  	[tilespmem:s18+$0xC820] =	vst v1  }
0x28: {  	v1 =	vld.idx.msk [tilespmem:v0+s18+$0x30 ss:$0x1], $0xffff  }
0x29: {  	v2 =	vld [tilespmem:s18+$0xC830];
	_ =	sdelay $0x2  }
.Ltmp0:
0x2a: {  	(pc) =	sbr.rel @p0 .LBB2_3-.Ltmp0, $3  }
0x2b: {  	_ = 	snop  }
0x2c: {  	v1 =	vadd.f32 v1, v2;
	_ =	sdelay $0x1  }
0x2d: {  	[tilespmem:s18+$0xC830] =	vst v1;
	s18 =	sshra.s32 s19, $0x2;
	s19 =	sadd.s32 $0x100, s19  }
0x2e: {  	_ =	sdelay $0x3  }
0x2f: {  	v1 =	vld.idx.msk [tilespmem:v0+s18+$0x0 ss:$0x1], $0xffff  }
0x30: {  	v2 =	vld [tilespmem:s18+$0xC800];
	_ =	sdelay $0x4  }
0x31: {  	v1 =	vadd.f32 v1, v2;
	_ =	sdelay $0x1  }
0x32: {  	v60 =	vld [tilespmem:s18+$0xC810];
	[tilespmem:s18+$0xC800] =	vst v1  }
0x33: {  	v1 =	vld.idx.msk [tilespmem:v0+s18+$0x10 ss:$0x1], $0xffff;
	_ =	sdelay $0x4  }
0x34: {  	v1 =	vadd.f32 v1, v60;
	_ =	sdelay $0x1  }
0x35: {  	v61 =	vld [tilespmem:s18+$0xC820];
	[tilespmem:s18+$0xC810] =	vst v1  }
0x36: {  	v1 =	vld.idx.msk [tilespmem:v0+s18+$0x20 ss:$0x1], $0xffff;
	_ =	sdelay $0x4  }
0x37: {  	v1 =	vadd.f32 v1, v61;
	_ =	sdelay $0x1  }
0x38: {  	v63 =	vld [tilespmem:s18+$0xC830];
	[tilespmem:s18+$0xC820] =	vst v1  }
0x39: {  	v62 =	vld.idx.msk [tilespmem:v0+s18+$0x30 ss:$0x1], $0xffff;
	_ =	sdelay $0x4  }
0x3a: {  	s17 =	sadd.s32 s4, s17;
	s16 =	sadd.s32 $0x1, s16;
	v0 =	vadd.f32 v62, v63  }
0x3b: {  	s17 =	sshll.u32 s17, $0x3;
	p0 =	sne.s32 s16, $0xC8  }
.Ltmp1:
0x3c: {  	s17 =	sadd.s32 s2, s17;
	[tilespmem:s18+$0xC830] =	vst v0;
	(pc) =	sbr.rel @p0 .LBB2_2-.Ltmp1, $4  }
0x3d: {  	[hbm4b:s17+s3] =	stream.linear.scatter [tilespmem:s11], [sflag:$0x2], $0x2000, $0x38;
	[tilespmem:$0xE800] =	vst v63  }
0x3e: {  	_ =	swait.ge [sflag:s9], $0x2000  }
0x3f: {  	[sflag:s9] =	ssyncset.done $0x0  }
0x40: {  	s14 =	sadd.s32 $0x2000, s14;
	s15 =	sadd.s32 $0x80, s15;
	[sflag:s9] =	ssyncadd.s32 $0xFFFFE000  }
0x41: {  	s13 =	sadd.s32 $0x1, s13  }
0x42: {  	p0 =	sne.s32 s13, s8  }
.Ltmp2:
0x43: {  	_ = 	snop;
	(pc) =	sbr.rel @p0 .LBB2_1-.Ltmp2, $1  }
0x44: {  	_ =	sdelay $0x3  }
0x45: {  	_ =	sfence.sel $0x180000  }
0x46: {  	[bflag:$0x0] =	sbarrier.arrive $0xFFFF  }
0x47: {  	p0 =	sne.s32 s0, $0x0;
	_ =	strace $0x90000047  }
0x48: {  	s0 =	sadd.s32 @!p0 $0x100000, s1;
	[bflag:$0x2] =	sbarrier.arrive $0xFFFF  }
0x49: {  	[sflag:s0] =	ssyncadd.tile.s32 @!p0 $0x1;
	_ =	shalt  }
.Lfunc_end2:
_tile_overlayer_lowered:
.L_overlay_start_2:
0x4a: {  	(tag) =	ssettag $0x2  }
0x4b: {  	s0 =	rddreg [dreg:$0x0];
	s2 =	stileid.u32  }
0x4c: {  	s1 =	rddreg [dreg:$0x1];
	p0 =	sne.s32 s2, $0x0  }
0x4d: {  	s3 =	rddreg [dreg:$0x2];
	[bflag:$0x3] =	sbarrier.arrive $0xFFFF;
	s2 =	simm.s32 @!p0 $0x1C02  }
0x4e: {  	[timem:s3], [sflag:s2] =	dma.local @!p0 [hbm:s0], s1  }
0x4f: {  	s0 =	simm.s32 @!p0 $0x2  }
0x50: {  	_ =	swait.ge @!p0 [sflag:s0], s1  }
0x51: {  	s1 =	ssub.s32 @!p0 $0x0, s1;
	[sflag:s0] =	ssyncset.done @!p0 $0x0  }
0x52: {  	[sflag:s0] =	ssyncadd.s32 @!p0 s1  }
0x53: {  	[bflag:$0x3] =	sbarrier.arrive $0xFFFF  }
0x54: {  	_ =	shalt  }

// kernel: sparse-core-data-format-call.cloned.1.call-start
scs
called_computation_lowered:
.L_overlay_start_0:
0x0: {  	s2 =	sld [smem:$0x3FD9]  }
0x1: {  	s3 =	sld [smem:$0x3FFE];
	_ =	sdelay $0x1  }
0x2: {  	s1 =	srdreg.scid  }
0x3: {  	s0 =	sand.u32 $0x1, s1  }
0x4: {  	s18 =	sshll.u32 s0, $0xA;
	s2 =	sadd.s32 s3, s2  }
0x5: {  	s2 =	sadd.s32 s2, s18  }
0x6: {  	[smem:$0x3FC6] =	sst s2  }
0x7: {  	_ = 	snop  }
0x8: {  	s2 =	sld [smem:$0x3FD0];
	(tm) =	ssettm $0x1  }
0x9: {  	s19 =	sld [smem:$0x3FFB];
	_ =	sdelay $0x3  }
0xa: {  	_ =	strace s19  }
0xb: {  	s3 =	sld [smem:$0x3FFC];
	_ =	sdelay $0x3  }
0xc: {  	_ =	strace s3  }
0xd: {  	s3 =	sld [smem:$0x3FFD];
	_ =	sdelay $0x3  }
0xe: {  	_ =	strace s3  }
0xf: {  	_ =	strace $0x8FFFFFFF  }
0x10: {  	s20 =	sld [smem:$0x3FDB];
	_ =	sdelay $0x1  }
0x11: {  	s4 =	simm.s32 $_scs_section_size  }
0x12: {  	s5 =	simm.s32 $_size__tile_overlayer_lowered;
	s6 =	simm.s32 $_tile_overlayer_lowered  }
0x13: {  	s23 =	simm.s32 $0x1BFF;
	s22 =	sshll.u32 s6, $0x1;
	s3 =	sadd.s32 s4, s20  }
0x14: {  	s7 =	simm.s32 $0x0;
	s21 =	sshll.u32 s5, $0x1;
	s5 =	sadd.s32 s22, s3  }
0x15: {  	[timem:s7], [sflag:s23] =	dma.local [hbm:s5], s21  }
0x16: {  	_ =	swait.ge [sflag:s23], s21  }
0x17: {  	s4 =	ssub.s32 $0x0, s21;
	[sflag:s23] =	ssyncset.done $0x0  }
0x18: {  	[sflag:s23] =	ssyncadd.s32 s4;
	_ =	sdelay $0x1  }
0x19: {  	s24 =	simm.s32 $0x1B8B  }
0x1a: {  	_ =	swait.ge [sflag:s24], $0x1  }
0x1b: {  	[sflag:s24] =	ssyncset.done $0x0  }
0x1c: {  	s26 =	simm.s32 $0x1B8E;
	s25 =	sld [smem:$0x3FFE];
	[sflag:s24] =	ssyncadd.s32 $0xFFFFFFFF  }
0x1d: {  	s27 =	simm.s32 $execute0_lowered;
	[smem:$0x3FD2] =	sst s26  }
0x1e: {  	s5 =	sshll.u32 s27, $0x1;
	_ =	strace $0x80000049;
	[dreg:$0x1] =	wrdreg $0xFFFFFFFF  }
0x1f: {  	s28 =	simm.s32 $_size_execute0_lowered;
	s3 =	sadd.s32 s3, s5;
	[dreg:$0x0] =	wrdreg $0x0  }
0x20: {  	s5 =	sshll.u32 s28, $0x1;
	[dreg:$0x2] =	wrdreg s3  }
0x21: {  	[dreg:$0x3] =	wrdreg s5  }
0x22: {  	[dreg:$0x4] =	wrdreg $0xC0  }
0x23: {  	_ =	task [dreg:s7], $0x5FFFF  }
0x24: {  	[dreg:$0x1] =	wrdreg $0xFFFFFFFF  }
0x25: {  	[dreg:$0x0] =	wrdreg $0x60  }
0x26: {  	[dreg:$0x2] =	wrdreg s25  }
0x27: {  	[dreg:$0x3] =	wrdreg s2  }
0x28: {  	[dreg:$0x4] =	wrdreg $0x9  }
0x29: {  	_ =	task.clear_ibuf [dreg:s7], $0x5FFFF;
	_ =	strace $0x90000049  }
0x2a: {  	s29 =	simm.s32 $0x9;
	_ =	strace $0x8000004B  }
0x2b: {  	_ =	swait.ge [sflag:s29], $0x1  }
0x2c: {  	[sflag:s29] =	ssyncadd.s32 $0xFFFFFFFF  }
0x2d: {  	_ =	strace $0x9000004B  }
0x2e: {  	_ =	sfence  }
0x2f: {  	s30 =	sld [smem:$0x0];
	_ =	sdelay $0x2  }
0x30: {  	s31 =	sshll.u32 s1, $0xD;
	s1 =	sshrl.u32 s1, $0x2  }
0x31: {  	s3 =	sand.u32 $0x4000, s31;
	s1 =	sadd.s32 s1, s30  }
0x32: {  	s0 =	sor.u32 s3, s0;
	s1 =	sshll.u32 s1, $0x11  }
0x33: {  	s0 =	sor.u32 s1, s0  }
0x34: {  	s0 =	sadd.s32 $0x8F2B, s0  }
0x35: {  	[sflag:s0] =	ssyncadd.remote.s32 $0x1  }
0x36: {  	_ =	sfence.sel $0xFFFF  }
0x37: {  	[dreg:$0x0] =	wrdreg $0xFFFFFFFF;
	(pc) =	sbr.abs _section_cstart, $3  }
0x38: {  	[dreg:$0x1] =	wrdreg $0xFFFFFFFF  }
0x39: {  	_ =	task.clear_ibuf [dreg:s7], $0x2FFFF;
	_ =	strace $0x9FFFFFFF  }
0x3a: {  	(tm) =	ssettm $0x7FFFFFFF  }
0x3b: {  	_ =	shalt  }
tec
execute0_lowered:
.L_overlay_start_1:
0x0: {  	(tag) =	ssettag $0x1  }
0x1: {  	s0 =	srdreg.scid  }
0x2: {  	s1 =	sshll.u32 s0, $0x4  }
0x3: {  	s0 =	stileid.u32;
	s1 =	sand.u32 $0x10, s1  }
0x4: {  	s1 =	sor.u32 s0, s1  }
0x5: {  	s6 =	rddreg [dreg:$0x0];
	s4 =	simm.s32 $0x1;
	s2 =	sshll.u32 s1, $0x7  }
0x6: {  	s7 =	simm.s32 $0x2;
	s12 =	simm.s32 $0x0;
	s1 =	ssub.s32 $0x1000, s2  }
0x7: {  	s8 =	simm.s32 $0x8000;
	s13 =	simm.s32 $0x0;
	s3 =	sand.u32 $0xF80, s1  }
0x8: {  	s9 =	simm.s32 $0x0;
	s5 =	sshrl.u32 s1, $0xC;
	p0 =	sne.s32 s3, $0x0  }
.Ltmp0:
0x9: {  	s1 =	rddreg [dreg:$0x2];
	s4 =	simm.s32 @!p0 $0x0;
	(pc) =	sbr.rel .LBB1_1-.Ltmp0, $4  }
0xa: {  	s11 =	simm.s32 $0x0;
	s3 =	rddreg [dreg:$0x1];
	s5 =	sadd.s32 s4, s5  }
0xb: {  	_ =	strace $0x8000004A;
	s4 =	simm.s32 $0x1;
	s5 =	smul.u32 $0xC8, s5  }
0xc: {  	s6 =	sadd.s32 $0xC00, s6;
	s10 =	smov.u32 s2;
	[sflag:s4] =	ssyncpa.u1 $0x0  }
0xd: {  	p0 =	por $0x0, $0x0;
	[sflag:s7] =	ssyncpa.u1 $0x0;
	s7 =	sor.u32 $0x1, s5  }
.LBB1_4:
0xe: {  	s16 =	sshll.u32 s13, $0x3;
	s17 =	sand.u32 $0x78, s13  }
0xf: {  	s30 =	sand.u32 $0x7E00, s13;
	s12 =	sshll.u32 s12, $0xF;
	s16 =	sand.u32 $0xC00, s16  }
0x10: {  	[tilespmem:s15+$0x810 ss:$0x81] =	vst.msk $0xffff, v2;
	s31 =	sand.u32 $0x7, s13;
	s16 =	sor.u32 s17, s16;
	s17 =	sadd.s32 s3, s30  }
0x11: {  	[tilespmem:s15+$0x1020 ss:$0x81] =	vst.msk $0xffff, v0;
	s13 =	sshll.u32 s31, $0x12;
	s12 =	sadd.s32 s12, s17;
	s16 =	sshrl.u32 s16, $0x3  }
0x12: {  	[tilespmem:s15+$0x0 ss:$0x81] =	vst.msk $0xffff, v1;
	s13 =	sor.u32 $0x400, s13;
	s12 =	sadd.s32 s16, s12  }
0x13: {  	[hbm4b:s12+s13] =	stream.strided.scatter [tilespmem:s14], [sflag:$0x2], $0x2000, s8, s13, $0x20;
	[tilespmem:$0x8080] =	vst v63  }
.LBB1_5:
0x14: {  	s14 =	sadd.s32 $0x1, s9  }
0x15: {  	s12 =	sadd.s32 $0x1000, s10;
	s16 =	smov.u32 s10;
	p2 =	sgt.s32 s14, $0xC7  }
0x16: {  	s16 =	smov.u32 @p2 s12  }
0x17: {  	s14 =	simm.s32 @p2 $0x0;
	p2 =	sgt.s32 s16, $0xFFF  }
0x18: {  	s16 =	smov.u32 @p2 s2;
	p2 =	sne.s32 s11, s7  }
.Ltmp1:
0x19: {  	p1 =	slt.u32 s11, $0x2;
	(pc) =	sbr.rel @!p2 .LBB1_6-.Ltmp1, $4  }
0x1a: {  	s15 =	simm.s32 @!p1 $0x2  }
0x1b: {  	s13 =	smov.u32 s10;
	p0 =	por !p0, !p0;
	_ =	swait.ge @!p1 [sflag:s15], $0x2000  }
0x1c: {  	s12 =	smov.u32 s9;
	[sflag:s15] =	ssyncset.done @!p1 $0x0;
	s9 =	smov.u32 s14  }
0x1d: {  	s11 =	sadd.s32 $0x1, s11;
	[sflag:s15] =	ssyncadd.s32 @!p1 $0xFFFFE000;
	s10 =	smov.u32 s16  }
.LBB1_1:
0x1e: {  	p1 =	sge.u32 s11, s5  }
0x1f: {  	s14 =	sand.u32 @!p1 $0x1FFFFFF, s9  }
0x20: {  	s15 =	smulhi.u32 @!p1 $0x147AE15, s14;
	_ =	sdelay $0x1  }
0x21: {  	s15 =	smul.u32 @!p1 $0xC8, s15  }
0x22: {  	s16 =	sxor.u32 @!p1 $0xFFFFFFFF, s11;
	s17 =	smul.u32 @!p1 $0xC80, s10  }
0x23: {  	s31 =	sadd.s32 $0xFFFFFFFF, s11;
	s16 =	sshll.u32 @!p1 s16, $0xD;
	s14 =	ssub.s32 @!p1 s14, s15  }
0x24: {  	s15 =	sand.u32 @!p1 $0x2000, s16;
	s16 =	sadd.s32 @!p1 s6, s17;
	s14 =	sshll.u32 @!p1 s14, $0x4  }
0x25: {  	s17 =	simm.s32 @!p1 $0x6400;
	s14 =	sadd.s32 @!p1 s14, s16;
	s16 =	simm.s32 @!p1 $0x40  }
0x26: {  	[tilespmem:s15], [sflag:$0x1] =	stream.strided.gather @!p1 [hbm4b:s14+s16], $0x2000, s17, s16, $0x38;
	[tilespmem:$0x8080] =	vst v63  }
0x27: {  	p1 =	sge.u32 s31, s5  }
.Ltmp2:
0x28: {  	_ = 	snop;
	(pc) =	sbr.rel @p1 .LBB1_5-.Ltmp2, $1  }
0x29: {  	_ =	sdelay $0x3  }
0x2a: {  	s14 =	simm.s32 $0x1  }
0x2b: {  	_ =	swait.ge [sflag:s4], $0x2000;
	s14 =	simm.s32 @!p0 $0x0  }
0x2c: {  	[sflag:s4] =	ssyncset.done $0x0;
	s15 =	sshll.u32 s14, $0xD  }
0x2d: {  	[sflag:s4] =	ssyncadd.s32 $0xFFFFE000;
	s18 =	sor.u32 $0x20, s15  }
0x2e: {  	s14 =	smul.u32 $0x8100, s14;
	v3 =	vld [tilespmem:s18+$0x10]  }
0x2f: {  	s30 =	sand.u32 $0x1, s11;
	v2 =	vld [tilespmem:s18+$0xFFFFFFF0]  }
0x30: {  	s15 =	smul.u32 $0x8100, s30;
	s14 =	sshrl.u32 s14, $0x2;
	v0 =	vld [tilespmem:s18+$0x0]  }
0x31: {  	v1 =	vld [tilespmem:s18+$0xFFFFFFE0];
	s16 =	sor.u32 $0x4000, s14  }
0x32: {  	s31 =	sshrl.u32 s15, $0x2;
	s15 =	sadd.s32 $0x0, s16  }
0x33: {  	s17 =	simm.s32 $0x4;
	s18 =	sadd.s32 $0x40, s18;
	s14 =	sor.u32 $0x4000, s31;
	[tilespmem:s15+$0x1830 ss:$0x81] =	vst.msk $0xffff, v3  }
.LBB1_3:
0x34: {  	v3 =	vld [tilespmem:s18+$0x10];
	p1 =	sne.s32 s17, $0x1FC;
	[tilespmem:s15+$0x810 ss:$0x81] =	vst.msk $0xffff, v2;
	s19 =	smov.u32 s17;
	s17 =	sadd.s32 $0x4, s17  }
.Ltmp3:
0x35: {  	v2 =	vld [tilespmem:s18+$0xFFFFFFF0];
	[tilespmem:s15+$0x1020 ss:$0x81] =	vst.msk $0xffff, v0;
	(pc) =	sbr.rel @p1 .LBB1_3-.Ltmp3, $4  }
0x36: {  	v0 =	vld [tilespmem:s18+$0x0];
	[tilespmem:s15+$0x0 ss:$0x81] =	vst.msk $0xffff, v1  }
0x37: {  	s15 =	sshra.s32 s19, $0x2;
	v1 =	vld [tilespmem:s18+$0xFFFFFFE0]  }
0x38: {  	s15 =	sadd.s32 s15, s16  }
0x39: {  	s18 =	sadd.s32 $0x40, s18;
	[tilespmem:s15+$0x1830 ss:$0x81] =	vst.msk $0xffff, v3  }
.Ltmp4:
0x3a: {  	_ = 	snop;
	(pc) =	sbr.rel .LBB1_4-.Ltmp4, $1  }
0x3b: {  	_ =	sdelay $0x3  }
.LBB1_6:
0x3c: {  	_ =	sfence.sel $0x180000  }
0x3d: {  	s2 =	simm.s32 $0x1;
	[bflag:$0x0] =	sbarrier.arrive $0xFFFF  }
0x3e: {  	s31 =	simm.s32 $0x2;
	[sflag:s2] =	ssyncpa.u1 $0x1  }
0x3f: {  	[sflag:s31] =	ssyncpa.u1 $0x1  }
0x40: {  	p0 =	sne.s32 s0, $0x0;
	_ =	strace $0x9000004A  }
0x41: {  	s0 =	sadd.s32 @!p0 $0x100000, s1;
	[bflag:$0x2] =	sbarrier.arrive $0xFFFF  }
0x42: {  	[sflag:s0] =	ssyncadd.tile.s32 @!p0 $0x1;
	_ =	shalt  }
.Lfunc_end1:
_tile_overlayer_lowered:
.L_overlay_start_2:
0x43: {  	(tag) =	ssettag $0x2  }
0x44: {  	s0 =	rddreg [dreg:$0x0];
	s2 =	stileid.u32  }
0x45: {  	s1 =	rddreg [dreg:$0x1];
	p0 =	sne.s32 s2, $0x0  }
0x46: {  	s3 =	rddreg [dreg:$0x2];
	[bflag:$0x3] =	sbarrier.arrive $0xFFFF;
	s2 =	simm.s32 @!p0 $0x1C01  }
0x47: {  	[timem:s3], [sflag:s2] =	dma.local @!p0 [hbm:s0], s1  }
0x48: {  	s0 =	simm.s32 @!p0 $0x1  }
0x49: {  	_ =	swait.ge @!p0 [sflag:s0], s1  }
0x4a: {  	s1 =	ssub.s32 @!p0 $0x0, s1;
	[sflag:s0] =	ssyncset.done @!p0 $0x0  }
0x4b: {  	[sflag:s0] =	ssyncadd.s32 @!p0 s1  }
0x4c: {  	[bflag:$0x3] =	sbarrier.arrive $0xFFFF  }
0x4d: {  	_ =	shalt  }

</sc_bundles>
